<compile_context>
chip_gen: v7x
topology: tpu7x:2x2x1
jax: 0.10.2.dev20260603
libtpu: 0.0.44.dev20260713+nightly
codegen_flags: <defaults>
</compile_context>

<pallas_src>
import jax
import jax.numpy as jnp
import numpy as np
from jax.experimental import pallas as pl

_CB = 1024

_B0 = 6.27863883972168
_B1 = -41.0938606262207
_B2 = 77.93156433105469
_B3 = -56.08959197998047


def _rope_body(pb_ref, cf_ref, of_ref, out_ref):
    pb = jnp.tile(pb_ref[0], (256, 1))
    cf = cf_ref[:][:, None]
    of = of_ref[:][:, None]
    u = pb * cf + of
    r = u - jnp.round(u)
    r2 = r * r
    s = _B3
    s = s * r2 + _B2
    s = s * r2 + _B1
    s = s * r2 + _B0
    out_ref[:, :] = s * r


def kernel(pos, args):
    B, S = pos.shape
    half = args.shape[1]
    N = B * S
    W = 4 * half

    freqs = args[1, :]
    cf = jnp.repeat(freqs * np.float32(1.0 / (2.0 * np.pi)), 4)
    of = jnp.tile(jnp.array([0.25, 0.5, 0.0, 0.25], jnp.float32), (half,))
    posf = pos.reshape(N).astype(jnp.float32).reshape(N // _CB, 1, _CB)

    out = pl.pallas_call(
        _rope_body,
        grid=(N // _CB,),
        in_specs=[
            pl.BlockSpec((1, 1, _CB), lambda j: (j, 0, 0)),
            pl.BlockSpec((W,), lambda j: (0,)),
            pl.BlockSpec((W,), lambda j: (0,)),
        ],
        out_specs=pl.BlockSpec((W, _CB), lambda j: (0, j)),
        out_shape=jax.ShapeDtypeStruct((W, N), jnp.float32),
    )(posf, cf, of)

    return out.T.reshape(B, S, 1, half, 2, 2)

# --- scband reference (transcript-rebuilt; emitter-appended) ---
"""Pipeline reference for scband-ro-pe1-d-89524298317916 (READ-ONLY COPY).

The authoritative reference and input builder live on the scoring server;
editing this copy changes nothing except your own understanding.
"""

import jax, jax.numpy as jnp
import numpy as np

DIM = 128
MAX_POS = 8192
MAX_PERIOD = 10000.0

def get_freqs(half_dim, max_period):
    # standard rotary frequencies: max_period ** (-i/half_dim) for i in [0, half_dim)
    return 1.0 / (max_period ** (jnp.arange(half_dim, dtype=jnp.float32) / half_dim))

def setup_inputs(seed: int = 0) -> dict:
    key = jax.random.key(seed)
    pos = jax.random.randint(key, (4, 8192), 0, MAX_POS).astype(jnp.int64)
    half = DIM // 2
    freqs = get_freqs(half, MAX_PERIOD)
    p = jnp.arange(MAX_POS, dtype=jnp.float32)
    args = jnp.outer(p, freqs)  # [max_pos, dim//2] precomputed buffer
    return {"pos": pos, "args": args}

def reference(pos, args):
    pos = pos.astype(jnp.int32)
    a = jnp.take(args, pos, axis=0).astype(jnp.float32)  # [B, S, dim//2]
    cosine = jnp.cos(a)
    sine = jnp.sin(a)
    rope = jnp.stack([cosine, -sine, sine, cosine], axis=-1)  # [B, S, dim//2, 4]
    rope = rope.reshape(*rope.shape[:-1], 2, 2)  # [B, S, dim//2, 2, 2]
    return jnp.expand_dims(rope, -4)  # [B, S, 1, dim//2, 2, 2]

if __name__ == "__main__":
    import jax
    _d = setup_inputs()
    print(jax.jit(kernel)(*tuple(_d.values())))

</pallas_src>

<mosaic_0001>
module attributes {stable_mosaic.version = 14 : i64} {
  func.func @_rope_body(%arg0: i32, %arg1: memref<1x1x1024xf32, #tpu.memory_space<vmem>>, %arg2: memref<256xf32, #tpu.memory_space<vmem>>, %arg3: memref<256xf32, #tpu.memory_space<vmem>>, %arg4: memref<256x1024xf32, #tpu.memory_space<vmem>>) attributes {dimension_semantics = [#tpu.dimension_semantics<arbitrary>], iteration_bounds = array<i64: 32>, scalar_prefetch = 0 : i64, scratch_operands = 0 : i64, tpu.core_type = #tpu.core_type<tc>, window_params = [{transform_indices = @transform_0, window_bounds = array<i64: 1, 1, 1024>}, {pipeline_mode = #tpu.pipeline_mode<synchronous>, transform_indices = @transform_1, window_bounds = array<i64: 256>}, {pipeline_mode = #tpu.pipeline_mode<synchronous>, transform_indices = @transform_2, window_bounds = array<i64: 256>}, {transform_indices = @transform_3, window_bounds = array<i64: 256, 1024>}]} {
    %get3A = arith.constant 0 : index
    %get3A_0 = arith.constant 0 : index
    %get3A_1 = arith.constant 0 : index
    %get3A_2 = vector.load %arg1[%get3A, %get3A_0, %get3A_1] : memref<1x1x1024xf32, #tpu.memory_space<vmem>>, vector<1x1x1024xf32>
    %get3A_3 = vector.shape_cast %get3A_2 : vector<1x1x1024xf32> to vector<1x1024xf32>
    %tile3A = tpu.concatenate %get3A_3, %get3A_3, %get3A_3, %get3A_3, %get3A_3, %get3A_3, %get3A_3, %get3A_3, %get3A_3, %get3A_3, %get3A_3, %get3A_3, %get3A_3, %get3A_3, %get3A_3, %get3A_3, %get3A_3, %get3A_3, %get3A_3, %get3A_3, %get3A_3, %get3A_3, %get3A_3, %get3A_3, %get3A_3, %get3A_3, %get3A_3, %get3A_3, %get3A_3, %get3A_3, %get3A_3, %get3A_3, %get3A_3, %get3A_3, %get3A_3, %get3A_3, %get3A_3, %get3A_3, %get3A_3, %get3A_3, %get3A_3, %get3A_3, %get3A_3, %get3A_3, %get3A_3, %get3A_3, %get3A_3, %get3A_3, %get3A_3, %get3A_3, %get3A_3, %get3A_3, %get3A_3, %get3A_3, %get3A_3, %get3A_3, %get3A_3, %get3A_3, %get3A_3, %get3A_3, %get3A_3, %get3A_3, %get3A_3, %get3A_3, %get3A_3, %get3A_3, %get3A_3, %get3A_3, %get3A_3, %get3A_3, %get3A_3, %get3A_3, %get3A_3, %get3A_3, %get3A_3, %get3A_3, %get3A_3, %get3A_3, %get3A_3, %get3A_3, %get3A_3, %get3A_3, %get3A_3, %get3A_3, %get3A_3, %get3A_3, %get3A_3, %get3A_3, %get3A_3, %get3A_3, %get3A_3, %get3A_3, %get3A_3, %get3A_3, %get3A_3, %get3A_3, %get3A_3, %get3A_3, %get3A_3, %get3A_3, %get3A_3, %get3A_3, %get3A_3, %get3A_3, %get3A_3, %get3A_3, %get3A_3, %get3A_3, %get3A_3, %get3A_3, %get3A_3, %get3A_3, %get3A_3, %get3A_3, %get3A_3, %get3A_3, %get3A_3, %get3A_3, %get3A_3, %get3A_3, %get3A_3, %get3A_3, %get3A_3, %get3A_3, %get3A_3, %get3A_3, %get3A_3, %get3A_3, %get3A_3, %get3A_3, %get3A_3, %get3A_3, %get3A_3, %get3A_3, %get3A_3, %get3A_3, %get3A_3, %get3A_3, %get3A_3, %get3A_3, %get3A_3, %get3A_3, %get3A_3, %get3A_3, %get3A_3, %get3A_3, %get3A_3, %get3A_3, %get3A_3, %get3A_3, %get3A_3, %get3A_3, %get3A_3, %get3A_3, %get3A_3, %get3A_3, %get3A_3, %get3A_3, %get3A_3, %get3A_3, %get3A_3, %get3A_3, %get3A_3, %get3A_3, %get3A_3, %get3A_3, %get3A_3, %get3A_3, %get3A_3, %get3A_3, %get3A_3, %get3A_3, %get3A_3, %get3A_3, %get3A_3, %get3A_3, %get3A_3, %get3A_3, %get3A_3, %get3A_3, %get3A_3, %get3A_3, %get3A_3, %get3A_3, %get3A_3, %get3A_3, %get3A_3, %get3A_3, %get3A_3, %get3A_3, %get3A_3, %get3A_3, %get3A_3, %get3A_3, %get3A_3, %get3A_3, %get3A_3, %get3A_3, %get3A_3, %get3A_3, %get3A_3, %get3A_3, %get3A_3, %get3A_3, %get3A_3, %get3A_3, %get3A_3, %get3A_3, %get3A_3, %get3A_3, %get3A_3, %get3A_3, %get3A_3, %get3A_3, %get3A_3, %get3A_3, %get3A_3, %get3A_3, %get3A_3, %get3A_3, %get3A_3, %get3A_3, %get3A_3, %get3A_3, %get3A_3, %get3A_3, %get3A_3, %get3A_3, %get3A_3, %get3A_3, %get3A_3, %get3A_3, %get3A_3, %get3A_3, %get3A_3, %get3A_3, %get3A_3, %get3A_3, %get3A_3, %get3A_3, %get3A_3, %get3A_3, %get3A_3, %get3A_3, %get3A_3, %get3A_3, %get3A_3, %get3A_3, %get3A_3, %get3A_3, %get3A_3, %get3A_3, %get3A_3, %get3A_3, %get3A_3, %get3A_3 in 0 : vector<1x1024xf32>, vector<1x1024xf32>, vector<1x1024xf32>, vector<1x1024xf32>, vector<1x1024xf32>, vector<1x1024xf32>, vector<1x1024xf32>, vector<1x1024xf32>, vector<1x1024xf32>, vector<1x1024xf32>, vector<1x1024xf32>, vector<1x1024xf32>, vector<1x1024xf32>, vector<1x1024xf32>, vector<1x1024xf32>, vector<1x1024xf32>, vector<1x1024xf32>, vector<1x1024xf32>, vector<1x1024xf32>, vector<1x1024xf32>, vector<1x1024xf32>, vector<1x1024xf32>, vector<1x1024xf32>, vector<1x1024xf32>, vector<1x1024xf32>, vector<1x1024xf32>, vector<1x1024xf32>, vector<1x1024xf32>, vector<1x1024xf32>, vector<1x1024xf32>, vector<1x1024xf32>, vector<1x1024xf32>, vector<1x1024xf32>, vector<1x1024xf32>, vector<1x1024xf32>, vector<1x1024xf32>, vector<1x1024xf32>, vector<1x1024xf32>, vector<1x1024xf32>, vector<1x1024xf32>, vector<1x1024xf32>, vector<1x1024xf32>, vector<1x1024xf32>, vector<1x1024xf32>, vector<1x1024xf32>, vector<1x1024xf32>, vector<1x1024xf32>, vector<1x1024xf32>, vector<1x1024xf32>, vector<1x1024xf32>, vector<1x1024xf32>, vector<1x1024xf32>, vector<1x1024xf32>, vector<1x1024xf32>, vector<1x1024xf32>, vector<1x1024xf32>, vector<1x1024xf32>, vector<1x1024xf32>, vector<1x1024xf32>, vector<1x1024xf32>, vector<1x1024xf32>, vector<1x1024xf32>, vector<1x1024xf32>, vector<1x1024xf32>, vector<1x1024xf32>, vector<1x1024xf32>, vector<1x1024xf32>, vector<1x1024xf32>, vector<1x1024xf32>, vector<1x1024xf32>, vector<1x1024xf32>, vector<1x1024xf32>, vector<1x1024xf32>, vector<1x1024xf32>, vector<1x1024xf32>, vector<1x1024xf32>, vector<1x1024xf32>, vector<1x1024xf32>, vector<1x1024xf32>, vector<1x1024xf32>, vector<1x1024xf32>, vector<1x1024xf32>, vector<1x1024xf32>, vector<1x1024xf32>, vector<1x1024xf32>, vector<1x1024xf32>, vector<1x1024xf32>, vector<1x1024xf32>, vector<1x1024xf32>, vector<1x1024xf32>, vector<1x1024xf32>, vector<1x1024xf32>, vector<1x1024xf32>, vector<1x1024xf32>, vector<1x1024xf32>, vector<1x1024xf32>, vector<1x1024xf32>, vector<1x1024xf32>, vector<1x1024xf32>, vector<1x1024xf32>, vector<1x1024xf32>, vector<1x1024xf32>, vector<1x1024xf32>, vector<1x1024xf32>, vector<1x1024xf32>, vector<1x1024xf32>, vector<1x1024xf32>, vector<1x1024xf32>, vector<1x1024xf32>, vector<1x1024xf32>, vector<1x1024xf32>, vector<1x1024xf32>, vector<1x1024xf32>, vector<1x1024xf32>, vector<1x1024xf32>, vector<1x1024xf32>, vector<1x1024xf32>, vector<1x1024xf32>, vector<1x1024xf32>, vector<1x1024xf32>, vector<1x1024xf32>, vector<1x1024xf32>, vector<1x1024xf32>, vector<1x1024xf32>, vector<1x1024xf32>, vector<1x1024xf32>, vector<1x1024xf32>, vector<1x1024xf32>, vector<1x1024xf32>, vector<1x1024xf32>, vector<1x1024xf32>, vector<1x1024xf32>, vector<1x1024xf32>, vector<1x1024xf32>, vector<1x1024xf32>, vector<1x1024xf32>, vector<1x1024xf32>, vector<1x1024xf32>, vector<1x1024xf32>, vector<1x1024xf32>, vector<1x1024xf32>, vector<1x1024xf32>, vector<1x1024xf32>, vector<1x1024xf32>, vector<1x1024xf32>, vector<1x1024xf32>, vector<1x1024xf32>, vector<1x1024xf32>, vector<1x1024xf32>, vector<1x1024xf32>, vector<1x1024xf32>, vector<1x1024xf32>, vector<1x1024xf32>, vector<1x1024xf32>, vector<1x1024xf32>, vector<1x1024xf32>, vector<1x1024xf32>, vector<1x1024xf32>, vector<1x1024xf32>, vector<1x1024xf32>, vector<1x1024xf32>, vector<1x1024xf32>, vector<1x1024xf32>, vector<1x1024xf32>, vector<1x1024xf32>, vector<1x1024xf32>, vector<1x1024xf32>, vector<1x1024xf32>, vector<1x1024xf32>, vector<1x1024xf32>, vector<1x1024xf32>, vector<1x1024xf32>, vector<1x1024xf32>, vector<1x1024xf32>, vector<1x1024xf32>, vector<1x1024xf32>, vector<1x1024xf32>, vector<1x1024xf32>, vector<1x1024xf32>, vector<1x1024xf32>, vector<1x1024xf32>, vector<1x1024xf32>, vector<1x1024xf32>, vector<1x1024xf32>, vector<1x1024xf32>, vector<1x1024xf32>, vector<1x1024xf32>, vector<1x1024xf32>, vector<1x1024xf32>, vector<1x1024xf32>, vector<1x1024xf32>, vector<1x1024xf32>, vector<1x1024xf32>, vector<1x1024xf32>, vector<1x1024xf32>, vector<1x1024xf32>, vector<1x1024xf32>, vector<1x1024xf32>, vector<1x1024xf32>, vector<1x1024xf32>, vector<1x1024xf32>, vector<1x1024xf32>, vector<1x1024xf32>, vector<1x1024xf32>, vector<1x1024xf32>, vector<1x1024xf32>, vector<1x1024xf32>, vector<1x1024xf32>, vector<1x1024xf32>, vector<1x1024xf32>, vector<1x1024xf32>, vector<1x1024xf32>, vector<1x1024xf32>, vector<1x1024xf32>, vector<1x1024xf32>, vector<1x1024xf32>, vector<1x1024xf32>, vector<1x1024xf32>, vector<1x1024xf32>, vector<1x1024xf32>, vector<1x1024xf32>, vector<1x1024xf32>, vector<1x1024xf32>, vector<1x1024xf32>, vector<1x1024xf32>, vector<1x1024xf32>, vector<1x1024xf32>, vector<1x1024xf32>, vector<1x1024xf32>, vector<1x1024xf32>, vector<1x1024xf32>, vector<1x1024xf32>, vector<1x1024xf32>, vector<1x1024xf32>, vector<1x1024xf32>, vector<1x1024xf32>, vector<1x1024xf32>, vector<1x1024xf32>, vector<1x1024xf32>, vector<1x1024xf32>, vector<1x1024xf32>, vector<1x1024xf32>, vector<1x1024xf32>, vector<1x1024xf32>, vector<1x1024xf32>, vector<1x1024xf32>, vector<1x1024xf32>, vector<1x1024xf32>, vector<1x1024xf32>, vector<1x1024xf32>, vector<1x1024xf32>, vector<1x1024xf32>, vector<1x1024xf32>, vector<1x1024xf32>, vector<1x1024xf32>, vector<1x1024xf32> -> vector<256x1024xf32>
    %get3A_4 = arith.constant 0 : index
    %get3A_5 = vector.load %arg2[%get3A_4] : memref<256xf32, #tpu.memory_space<vmem>>, vector<256xf32>
    %broadcast_in_dim3A = vector.shape_cast %get3A_5 : vector<256xf32> to vector<256x1xf32>
    %get3A_6 = arith.constant 0 : index
    %get3A_7 = vector.load %arg3[%get3A_6] : memref<256xf32, #tpu.memory_space<vmem>>, vector<256xf32>
    %broadcast_in_dim3A_8 = vector.shape_cast %get3A_7 : vector<256xf32> to vector<256x1xf32>
    %mul3A = vector.broadcast %broadcast_in_dim3A : vector<256x1xf32> to vector<256x1024xf32>
    %mul3A_9 = arith.mulf %tile3A, %mul3A : vector<256x1024xf32>
    %add3A = vector.broadcast %broadcast_in_dim3A_8 : vector<256x1xf32> to vector<256x1024xf32>
    %add3A_10 = arith.addf %mul3A_9, %add3A : vector<256x1024xf32>
    %round3A = math.roundeven %add3A_10 : vector<256x1024xf32>
    %sub3A = arith.subf %add3A_10, %round3A : vector<256x1024xf32>
    %mul3A_11 = arith.mulf %sub3A, %sub3A : vector<256x1024xf32>
    %mul3A_12 = arith.constant -56.089592 : f32
    %mul3A_13 = vector.broadcast %mul3A_12 : f32 to vector<256x1024xf32>
    %mul3A_14 = arith.mulf %mul3A_13, %mul3A_11 : vector<256x1024xf32>
    %add3A_15 = arith.constant 77.9315643 : f32
    %add3A_16 = vector.broadcast %add3A_15 : f32 to vector<256x1024xf32>
    %add3A_17 = arith.addf %mul3A_14, %add3A_16 : vector<256x1024xf32>
    %mul3A_18 = arith.mulf %add3A_17, %mul3A_11 : vector<256x1024xf32>
    %add3A_19 = arith.constant -41.0938606 : f32
    %add3A_20 = vector.broadcast %add3A_19 : f32 to vector<256x1024xf32>
    %add3A_21 = arith.addf %mul3A_18, %add3A_20 : vector<256x1024xf32>
    %mul3A_22 = arith.mulf %add3A_21, %mul3A_11 : vector<256x1024xf32>
    %add3A_23 = arith.constant 6.27863884 : f32
    %add3A_24 = vector.broadcast %add3A_23 : f32 to vector<256x1024xf32>
    %add3A_25 = arith.addf %mul3A_22, %add3A_24 : vector<256x1024xf32>
    %mul3A_26 = arith.mulf %add3A_25, %sub3A : vector<256x1024xf32>
    %swap3A = arith.constant 0 : index
    %swap3A_27 = arith.constant 0 : index
    %swap3A_28 = vector.load %arg4[%swap3A, %swap3A_27] : memref<256x1024xf32, #tpu.memory_space<vmem>>, vector<256x1024xf32>
    tpu.vector_store %arg4[%swap3A, %swap3A_27], %mul3A_26 {strides = array<i32>} : memref<256x1024xf32, #tpu.memory_space<vmem>>, vector<256x1024xf32>,
    return
  }
  func.func @transform_0(%arg0: i32) -> (i32, i32, i32) {
    %c0_i32 = arith.constant 0 : i32
    %c0_i32_0 = arith.constant 0 : i32
    %c0_i32_1 = arith.constant 0 : i32
    return %arg0, %c0_i32, %c0_i32_0 : i32, i32, i32
  }
  func.func @transform_1(%arg0: i32) -> i32 {
    %c0_i32 = arith.constant 0 : i32
    %c0_i32_0 = arith.constant 0 : i32
    return %c0_i32 : i32
  }
  func.func @transform_2(%arg0: i32) -> i32 {
    %c0_i32 = arith.constant 0 : i32
    %c0_i32_0 = arith.constant 0 : i32
    return %c0_i32 : i32
  }
  func.func @transform_3(%arg0: i32) -> (i32, i32) {
    %c0_i32 = arith.constant 0 : i32
    %c0_i32_0 = arith.constant 0 : i32
    return %c0_i32, %arg0 : i32, i32
  }
}

</mosaic_0001>

<sc_bundles>
// kernel: sparse-core-data-format-call.cloned.1.call-start
scs
called_computation_lowered:
.L_overlay_start_0:
0x0: {  	s2 =	sld [smem:$0x3FD9]  }
0x1: {  	s3 =	sld [smem:$0x3FFE];
	_ =	sdelay $0x1  }
0x2: {  	s1 =	srdreg.scid  }
0x3: {  	s0 =	sand.u32 $0x1, s1  }
0x4: {  	s18 =	sshll.u32 s0, $0xA;
	s2 =	sadd.s32 s3, s2  }
0x5: {  	s2 =	sadd.s32 s2, s18  }
0x6: {  	[smem:$0x3FC6] =	sst s2  }
0x7: {  	_ = 	snop  }
0x8: {  	s2 =	sld [smem:$0x3FD0];
	(tm) =	ssettm $0x1  }
0x9: {  	s19 =	sld [smem:$0x3FFB];
	_ =	sdelay $0x3  }
0xa: {  	_ =	strace s19  }
0xb: {  	s3 =	sld [smem:$0x3FFC];
	_ =	sdelay $0x3  }
0xc: {  	_ =	strace s3  }
0xd: {  	s3 =	sld [smem:$0x3FFD];
	_ =	sdelay $0x3  }
0xe: {  	_ =	strace s3  }
0xf: {  	_ =	strace $0x8FFFFFFF  }
0x10: {  	s20 =	sld [smem:$0x3FDB];
	_ =	sdelay $0x1  }
0x11: {  	s4 =	simm.s32 $_scs_section_size  }
0x12: {  	s5 =	simm.s32 $_size__tile_overlayer_lowered;
	s6 =	simm.s32 $_tile_overlayer_lowered  }
0x13: {  	s23 =	simm.s32 $0x1BFF;
	s22 =	sshll.u32 s6, $0x1;
	s3 =	sadd.s32 s4, s20  }
0x14: {  	s7 =	simm.s32 $0x0;
	s21 =	sshll.u32 s5, $0x1;
	s5 =	sadd.s32 s22, s3  }
0x15: {  	[timem:s7], [sflag:s23] =	dma.local [hbm:s5], s21  }
0x16: {  	_ =	swait.ge [sflag:s23], s21  }
0x17: {  	s4 =	ssub.s32 $0x0, s21;
	[sflag:s23] =	ssyncset.done $0x0  }
0x18: {  	[sflag:s23] =	ssyncadd.s32 s4;
	_ =	sdelay $0x1  }
0x19: {  	s24 =	simm.s32 $0x1B8B  }
0x1a: {  	_ =	swait.ge [sflag:s24], $0x1  }
0x1b: {  	[sflag:s24] =	ssyncset.done $0x0  }
0x1c: {  	s26 =	simm.s32 $0x1B8E;
	s25 =	sld [smem:$0x3FFE];
	[sflag:s24] =	ssyncadd.s32 $0xFFFFFFFF  }
0x1d: {  	s27 =	simm.s32 $execute0_lowered;
	[smem:$0x3FD2] =	sst s26  }
0x1e: {  	s5 =	sshll.u32 s27, $0x1;
	_ =	strace $0x80000046;
	[dreg:$0x1] =	wrdreg $0xFFFFFFFF  }
0x1f: {  	s28 =	simm.s32 $_size_execute0_lowered;
	s3 =	sadd.s32 s3, s5;
	[dreg:$0x0] =	wrdreg $0x0  }
0x20: {  	s5 =	sshll.u32 s28, $0x1;
	[dreg:$0x2] =	wrdreg s3  }
0x21: {  	[dreg:$0x3] =	wrdreg s5  }
0x22: {  	[dreg:$0x4] =	wrdreg $0xC0  }
0x23: {  	_ =	task [dreg:s7], $0x5FFFF  }
0x24: {  	[dreg:$0x1] =	wrdreg $0xFFFFFFFF  }
0x25: {  	[dreg:$0x0] =	wrdreg $0x60  }
0x26: {  	[dreg:$0x2] =	wrdreg s25  }
0x27: {  	[dreg:$0x3] =	wrdreg s2  }
0x28: {  	[dreg:$0x4] =	wrdreg $0x9  }
0x29: {  	_ =	task.clear_ibuf [dreg:s7], $0x5FFFF;
	_ =	strace $0x90000046  }
0x2a: {  	s29 =	simm.s32 $0x9;
	_ =	strace $0x80000048  }
0x2b: {  	_ =	swait.ge [sflag:s29], $0x1  }
0x2c: {  	[sflag:s29] =	ssyncadd.s32 $0xFFFFFFFF  }
0x2d: {  	_ =	strace $0x90000048  }
0x2e: {  	_ =	sfence  }
0x2f: {  	s30 =	sld [smem:$0x0];
	_ =	sdelay $0x2  }
0x30: {  	s31 =	sshll.u32 s1, $0xD;
	s1 =	sshrl.u32 s1, $0x2  }
0x31: {  	s3 =	sand.u32 $0x4000, s31;
	s1 =	sadd.s32 s1, s30  }
0x32: {  	s0 =	sor.u32 s3, s0;
	s1 =	sshll.u32 s1, $0x11  }
0x33: {  	s0 =	sor.u32 s1, s0  }
0x34: {  	s0 =	sadd.s32 $0x8F2B, s0  }
0x35: {  	[sflag:s0] =	ssyncadd.remote.s32 $0x1  }
0x36: {  	_ =	sfence.sel $0xFFFF  }
0x37: {  	[dreg:$0x0] =	wrdreg $0xFFFFFFFF;
	(pc) =	sbr.abs _section_cstart, $3  }
0x38: {  	[dreg:$0x1] =	wrdreg $0xFFFFFFFF  }
0x39: {  	_ =	task.clear_ibuf [dreg:s7], $0x2FFFF;
	_ =	strace $0x9FFFFFFF  }
0x3a: {  	(tm) =	ssettm $0x7FFFFFFF  }
0x3b: {  	_ =	shalt  }
tec
execute0_lowered:
.L_overlay_start_1:
0x0: {  	(tag) =	ssettag $0x1  }
0x1: {  	s2 =	rddreg [dreg:$0x0]  }
0x2: {  	s3 =	rddreg [dreg:$0x1]  }
0x3: {  	s0 =	rddreg [dreg:$0x2]  }
0x4: {  	_ =	strace $0x80000047;
	s4 =	srdreg.scid;
	s1 =	stileid.u32  }
0x5: {  	s6 =	simm.s32 $0x2;
	s13 =	simm.s32 $0x0;
	p0 =	por $0x0, $0x0  }
0x6: {  	s14 =	simm.s32 $0x0;
	s17 =	simm.s32 $0x0;
	s15 =	simm.s32 $0x0  }
.Ltmp0:
0x7: {  	s16 =	simm.s32 $0x0;
	s8 =	simm.s32 $0x0;
	(pc) =	sbr.rel .LBB1_1-.Ltmp0, $4  }
0x8: {  	s9 =	simm.s32 $0x0;
	s10 =	simm.s32 $0x0;
	s5 =	sshll.u32 s4, $0x4  }
0x9: {  	s11 =	simm.s32 $0x0;
	s4 =	simm.s32 $0x1;
	s5 =	sand.u32 $0x10, s5  }
0xa: {  	s7 =	simm.s32 $0x0;
	[sflag:s4] =	ssyncpa.u1 $0x0;
	s5 =	sor.u32 s1, s5  }
0xb: {  	[sflag:s6] =	ssyncpa.u1 $0x0;
	s6 =	simm.s32 $0x200000;
	s12 =	smov.u32 s5  }
.LBB1_9:
0xc: {  	s18 =	sadd.s32 $0x800, s8  }
0xd: {  	s13 =	sadd.s32 $0x4, s9;
	s19 =	smov.u32 s9;
	p2 =	sgt.s32 s18, $0x1FFF  }
0xe: {  	s19 =	smov.u32 @p2 s13  }
0xf: {  	s20 =	smov.u32 s10;
	s13 =	sadd.s32 $0x2, s10;
	p3 =	sgt.s32 s19, $0x3  }
0x10: {  	s20 =	smov.u32 @p3 s13  }
0x11: {  	s13 =	simm.s32 $0x1;
	p4 =	sgt.s32 s20, $0x1  }
0x12: {  	s13 =	simm.s32 @!p4 $0x0  }
0x13: {  	p1 =	slt.u32 s7, $0x2;
	s22 =	smov.u32 s12;
	s21 =	sadd.s32 s13, s11  }
0x14: {  	s7 =	sadd.s32 $0x1, s7;
	s13 =	sadd.s32 $0x20, s12;
	p5 =	sgt.s32 s21, $0x1  }
0x15: {  	s14 =	smov.u32 s9;
	s17 =	smov.u32 s10;
	s22 =	smov.u32 @p5 s13  }
0x16: {  	s15 =	smov.u32 s11;
	s18 =	simm.s32 @p2 $0x0;
	p2 =	sgt.s32 s22, $0x3F  }
0x17: {  	s23 =	simm.s32 @!p1 $0x2;
	s22 =	smov.u32 @p2 s5;
	p2 =	sne.s32 s7, $0x12  }
.Ltmp1:
0x18: {  	s16 =	smov.u32 s12;
	_ =	swait.ge @!p1 [sflag:s23], $0x4000;
	(pc) =	sbr.rel @!p2 .LBB1_10-.Ltmp1, $4  }
0x19: {  	p0 =	por !p0, !p0;
	[sflag:s23] =	ssyncset.done @!p1 $0x0;
	s19 =	simm.s32 @p3 $0x0  }
0x1a: {  	[sflag:s23] =	ssyncadd.s32 @!p1 $0xFFFFC000;
	s9 =	smov.u32 s19;
	s20 =	simm.s32 @p4 $0x0  }
0x1b: {  	s10 =	smov.u32 s20;
	s21 =	simm.s32 @p5 $0x0;
	s13 =	smov.u32 s8  }
0x1c: {  	s8 =	smov.u32 s18;
	s11 =	smov.u32 s21;
	s12 =	smov.u32 s22  }
.LBB1_1:
0x1d: {  	p1 =	sgt.u32 s7, $0xF  }
0x1e: {  	s18 =	sxor.u32 @!p1 $0xFFFFFFFF, s7  }
0x1f: {  	s19 =	sshll.u32 @!p1 s9, $0x7;
	s20 =	sand.u32 @!p1 $0x78, s8;
	s21 =	sshll.u32 @!p1 s8, $0x2  }
0x20: {  	s22 =	sshll.u32 @!p1 s10, $0xC;
	s18 =	sshll.u32 @!p1 s18, $0xE;
	s19 =	sand.u32 @!p1 $0x180, s19  }
0x21: {  	s21 =	sand.u32 @!p1 $0x1E00, s21;
	s19 =	sor.u32 @!p1 s19, s20;
	s20 =	sshll.u32 @!p1 s12, $0xE  }
0x22: {  	s19 =	sor.u32 @!p1 s21, s19;
	s21 =	sshll.u32 @!p1 s11, $0xD;
	s20 =	sadd.s32 @!p1 s2, s20  }
0x23: {  	s23 =	sshrl.u32 @!p1 s8, $0x1;
	s18 =	sand.u32 @!p1 $0x4000, s18;
	s20 =	sadd.s32 @!p1 s21, s20  }
0x24: {  	s21 =	sand.u32 @!p1 $0xC00, s23;
	s20 =	sadd.s32 @!p1 s22, s20;
	s22 =	sand.u32 @!p1 $0x7, s8  }
0x25: {  	s19 =	sshrl.u32 @!p1 s19, $0x3;
	s20 =	sadd.s32 @!p1 s21, s20;
	s21 =	sshll.u32 @!p1 s22, $0x12  }
0x26: {  	s19 =	sadd.s32 @!p1 s19, s20;
	s20 =	sor.u32 @!p1 $0x2000, s21;
	s21 =	simm.s32 @!p1 $0x8000  }
0x27: {  	[tilespmem:s18], [sflag:$0x1] =	stream.strided.gather @!p1 [hbm4b:s19+s20], $0x4000, s21, s20, $0x38;
	[tilespmem:$0x10000] =	vst v63  }
0x28: {  	p1 =	seq.s32 s7, $0x0  }
0x29: {  	p2 =	seq.s32 @!p1 s7, $0x11  }
0x2a: {  	p1 =	por p1, p2  }
.Ltmp2:
0x2b: {  	_ = 	snop;
	(pc) =	sbr.rel @p1 .LBB1_9-.Ltmp2, $1  }
0x2c: {  	_ =	sdelay $0x3  }
0x2d: {  	s18 =	simm.s32 $0x1;
	_ =	swait.ge [sflag:s4], $0x4000  }
0x2e: {  	s19 =	sshll.u32 s7, $0xE;
	s22 =	simm.s32 $0x0;
	s18 =	simm.s32 @!p0 $0x0  }
0x2f: {  	p2 =	por $0x1, $0x1;
	[sflag:s4] =	ssyncset.done $0x0;
	s18 =	sshll.u32 s18, $0x10  }
0x30: {  	s19 =	sand.u32 $0x4000, s19;
	[sflag:s4] =	ssyncadd.s32 $0xFFFFC000;
	s20 =	sshrl.u32 s18, $0x2  }
0x31: {  	s18 =	sor.u32 $0x8000, s19;
	s19 =	sor.u32 $0x8000, s20;
	s20 =	sadd.s32 $0x400, s20  }
.LBB1_3:
0x32: {  	s21 =	sshll.u32 s22, $0x7;
	s31 =	sshll.u32 s22, $0xD  }
0x33: {  	p1 =	por p2, p2;
	s23 =	sand.u32 $0x3FFFFF80, s21;
	s24 =	sand.u32 $0x3FFFE000, s31  }
0x34: {  	s22 =	sadd.s32 s23, s19;
	s23 =	sadd.s32 s24, s20;
	s24 =	simm.s32 $0x0  }
.LBB1_4:
0x35: {  	s25 =	sshll.u32 s24, $0xC  }
0x36: {  	s26 =	simm.s32 $0x0;
	v1 =	vld [tilespmem:s23+$0x270];
	v0 =	vmov s25  }
0x37: {  	v2 =	vld [tilespmem:s23+$0xFFFFFC10];
	s31 =	sand.u32 $0x800, s26  }
0x38: {  	v3 =	vld [tilespmem:s23+$0xFFFFFC20];
	s26 =	sand.u32 $0x400, s26;
	s25 =	sadd.s32 s31, s18  }
0x39: {  	v4 =	vld [tilespmem:s23+$0xFFFFFC30];
	s25 =	sadd.s32 s26, s25  }
0x3a: {  	v5 =	vld [tilespmem:s23+$0xFFFFFC40];
	s26 =	sadd.s32 s21, s25  }
0x3b: {  	v6 =	vld [tilespmem:s23+$0xFFFFFC50];
	[tilespmem:v0+s26+$0x370 ss:$0x1] =	vst.idx.msk $0xffff, v1  }
0x3c: {  	[tilespmem:v0+s26+$0x10 ss:$0x1] =	vst.idx.msk $0xffff, v2;
	v1 =	vld [tilespmem:s23+$0xFFFFFC60]  }
0x3d: {  	[tilespmem:v0+s26+$0x20 ss:$0x1] =	vst.idx.msk $0xffff, v3;
	v2 =	vld [tilespmem:s23+$0xFFFFFC70]  }
0x3e: {  	[tilespmem:v0+s26+$0x30 ss:$0x1] =	vst.idx.msk $0xffff, v4;
	v3 =	vld [tilespmem:s23+$0xFFFFFE00]  }
0x3f: {  	[tilespmem:v0+s26+$0x40 ss:$0x1] =	vst.idx.msk $0xffff, v5;
	v4 =	vld [tilespmem:s23+$0xFFFFFE10]  }
0x40: {  	[tilespmem:v0+s26+$0x50 ss:$0x1] =	vst.idx.msk $0xffff, v6;
	v5 =	vld [tilespmem:s23+$0xFFFFFE20]  }
0x41: {  	v6 =	vld [tilespmem:s23+$0xFFFFFC00];
	[tilespmem:v0+s26+$0x60 ss:$0x1] =	vst.idx.msk $0xffff, v1  }
0x42: {  	v1 =	vld [tilespmem:s23+$0xFFFFFE30];
	[tilespmem:v0+s26+$0x70 ss:$0x1] =	vst.idx.msk $0xffff, v2  }
0x43: {  	v2 =	vld [tilespmem:s23+$0xFFFFFE40];
	[tilespmem:v0+s26+$0x100 ss:$0x1] =	vst.idx.msk $0xffff, v3  }
0x44: {  	v3 =	vld [tilespmem:s23+$0xFFFFFE50];
	[tilespmem:v0+s26+$0x110 ss:$0x1] =	vst.idx.msk $0xffff, v4  }
0x45: {  	v4 =	vld [tilespmem:s23+$0xFFFFFE60];
	[tilespmem:v0+s26+$0x120 ss:$0x1] =	vst.idx.msk $0xffff, v5  }
0x46: {  	v5 =	vld [tilespmem:s23+$0xFFFFFE70];
	[tilespmem:s22+$0x0] =	vst v6  }
0x47: {  	[tilespmem:v0+s26+$0x130 ss:$0x1] =	vst.idx.msk $0xffff, v1;
	v1 =	vld [tilespmem:s23+$0x0]  }
0x48: {  	[tilespmem:v0+s26+$0x140 ss:$0x1] =	vst.idx.msk $0xffff, v2;
	v2 =	vld [tilespmem:s23+$0x10]  }
0x49: {  	[tilespmem:v0+s26+$0x150 ss:$0x1] =	vst.idx.msk $0xffff, v3;
	v3 =	vld [tilespmem:s23+$0x20]  }
0x4a: {  	[tilespmem:v0+s26+$0x160 ss:$0x1] =	vst.idx.msk $0xffff, v4;
	v4 =	vld [tilespmem:s23+$0x30]  }
0x4b: {  	[tilespmem:v0+s26+$0x170 ss:$0x1] =	vst.idx.msk $0xffff, v5;
	v5 =	vld [tilespmem:s23+$0x40]  }
0x4c: {  	[tilespmem:v0+s26+$0x200 ss:$0x1] =	vst.idx.msk $0xffff, v1;
	v1 =	vld [tilespmem:s23+$0x50]  }
0x4d: {  	[tilespmem:v0+s26+$0x210 ss:$0x1] =	vst.idx.msk $0xffff, v2;
	v2 =	vld [tilespmem:s23+$0x60]  }
0x4e: {  	[tilespmem:v0+s26+$0x220 ss:$0x1] =	vst.idx.msk $0xffff, v3;
	v3 =	vld [tilespmem:s23+$0x70]  }
0x4f: {  	[tilespmem:v0+s26+$0x230 ss:$0x1] =	vst.idx.msk $0xffff, v4;
	v4 =	vld [tilespmem:s23+$0x200]  }
0x50: {  	[tilespmem:v0+s26+$0x240 ss:$0x1] =	vst.idx.msk $0xffff, v5;
	v5 =	vld [tilespmem:s23+$0x210]  }
0x51: {  	[tilespmem:v0+s26+$0x250 ss:$0x1] =	vst.idx.msk $0xffff, v1;
	v1 =	vld [tilespmem:s23+$0x220]  }
0x52: {  	[tilespmem:v0+s26+$0x260 ss:$0x1] =	vst.idx.msk $0xffff, v2;
	v2 =	vld [tilespmem:s23+$0x230]  }
0x53: {  	[tilespmem:v0+s26+$0x270 ss:$0x1] =	vst.idx.msk $0xffff, v3;
	v3 =	vld [tilespmem:s23+$0x240]  }
0x54: {  	[tilespmem:v0+s26+$0x300 ss:$0x1] =	vst.idx.msk $0xffff, v4;
	v4 =	vld [tilespmem:s23+$0x250]  }
0x55: {  	s27 =	sadd.s32 $0x800, s23;
	[tilespmem:v0+s26+$0x310 ss:$0x1] =	vst.idx.msk $0xffff, v5;
	v5 =	vld [tilespmem:s23+$0x260]  }
0x56: {  	s25 =	simm.s32 $0x400;
	v6 =	vld [tilespmem:s27+$0xFFFFFC50];
	[tilespmem:v0+s26+$0x320 ss:$0x1] =	vst.idx.msk $0xffff, v1  }
0x57: {  	v7 =	vld [tilespmem:s27+$0x210];
	s28 =	sand.u32 $0x800, s25;
	[tilespmem:v0+s26+$0x330 ss:$0x1] =	vst.idx.msk $0xffff, v2  }
0x58: {  	v8 =	vld [tilespmem:s27+$0x220];
	s29 =	sand.u32 $0x400, s25;
	s28 =	sadd.s32 s28, s18;
	[tilespmem:v0+s26+$0x340 ss:$0x1] =	vst.idx.msk $0xffff, v3  }
0x59: {  	s28 =	sadd.s32 s29, s28;
	v1 =	vld [tilespmem:s27+$0x270];
	[tilespmem:v0+s26+$0x350 ss:$0x1] =	vst.idx.msk $0xffff, v4  }
0x5a: {  	v3 =	vld [tilespmem:s27+$0xFFFFFC20];
	[tilespmem:v0+s26+$0x360 ss:$0x1] =	vst.idx.msk $0xffff, v5;
	s26 =	sadd.s32 s21, s28  }
0x5b: {  	v2 =	vld [tilespmem:s27+$0xFFFFFC10];
	[tilespmem:v0+s26+$0x50 ss:$0x1] =	vst.idx.msk $0xffff, v6  }
0x5c: {  	v4 =	vld [tilespmem:s27+$0xFFFFFC30];
	[tilespmem:v0+s26+$0x310 ss:$0x1] =	vst.idx.msk $0xffff, v7  }
0x5d: {  	v5 =	vld [tilespmem:s27+$0xFFFFFC40];
	[tilespmem:v0+s26+$0x320 ss:$0x1] =	vst.idx.msk $0xffff, v8  }
0x5e: {  	v6 =	vld [tilespmem:s27+$0x200];
	[tilespmem:v0+s26+$0x370 ss:$0x1] =	vst.idx.msk $0xffff, v1  }
0x5f: {  	[tilespmem:v0+s26+$0x20 ss:$0x1] =	vst.idx.msk $0xffff, v3;
	v3 =	vld [tilespmem:s27+$0xFFFFFE00]  }
0x60: {  	[tilespmem:v0+s26+$0x10 ss:$0x1] =	vst.idx.msk $0xffff, v2;
	v2 =	vld [tilespmem:s27+$0xFFFFFC70]  }
0x61: {  	v1 =	vld [tilespmem:s27+$0xFFFFFC60];
	[tilespmem:v0+s26+$0x30 ss:$0x1] =	vst.idx.msk $0xffff, v4  }
0x62: {  	[tilespmem:v0+s26+$0x40 ss:$0x1] =	vst.idx.msk $0xffff, v5;
	v5 =	vld [tilespmem:s27+$0xFFFFFE20]  }
0x63: {  	v4 =	vld [tilespmem:s27+$0xFFFFFE10];
	[tilespmem:v0+s26+$0x300 ss:$0x1] =	vst.idx.msk $0xffff, v6  }
0x64: {  	[tilespmem:v0+s26+$0x100 ss:$0x1] =	vst.idx.msk $0xffff, v3;
	v3 =	vld [tilespmem:s27+$0xFFFFFE50]  }
0x65: {  	[tilespmem:v0+s26+$0x70 ss:$0x1] =	vst.idx.msk $0xffff, v2;
	v2 =	vld [tilespmem:s27+$0xFFFFFE40]  }
0x66: {  	[tilespmem:v0+s26+$0x60 ss:$0x1] =	vst.idx.msk $0xffff, v1;
	v1 =	vld [tilespmem:s27+$0xFFFFFE30]  }
0x67: {  	[tilespmem:v0+s26+$0x120 ss:$0x1] =	vst.idx.msk $0xffff, v5;
	v5 =	vld [tilespmem:s27+$0xFFFFFE70]  }
0x68: {  	[tilespmem:v0+s26+$0x110 ss:$0x1] =	vst.idx.msk $0xffff, v4;
	v4 =	vld [tilespmem:s27+$0xFFFFFE60]  }
0x69: {  	[tilespmem:v0+s26+$0x150 ss:$0x1] =	vst.idx.msk $0xffff, v3;
	v3 =	vld [tilespmem:s27+$0x20]  }
0x6a: {  	[tilespmem:v0+s26+$0x140 ss:$0x1] =	vst.idx.msk $0xffff, v2;
	v2 =	vld [tilespmem:s27+$0x10]  }
0x6b: {  	[tilespmem:v0+s26+$0x130 ss:$0x1] =	vst.idx.msk $0xffff, v1;
	v1 =	vld [tilespmem:s27+$0x0]  }
0x6c: {  	[tilespmem:v0+s26+$0x170 ss:$0x1] =	vst.idx.msk $0xffff, v5;
	v5 =	vld [tilespmem:s27+$0x40]  }
0x6d: {  	[tilespmem:v0+s26+$0x160 ss:$0x1] =	vst.idx.msk $0xffff, v4;
	v4 =	vld [tilespmem:s27+$0x30]  }
0x6e: {  	[tilespmem:v0+s26+$0x220 ss:$0x1] =	vst.idx.msk $0xffff, v3;
	v3 =	vld [tilespmem:s27+$0x70]  }
0x6f: {  	[tilespmem:v0+s26+$0x210 ss:$0x1] =	vst.idx.msk $0xffff, v2;
	v2 =	vld [tilespmem:s27+$0x60]  }
0x70: {  	[tilespmem:v0+s26+$0x200 ss:$0x1] =	vst.idx.msk $0xffff, v1;
	v1 =	vld [tilespmem:s27+$0x50]  }
0x71: {  	[tilespmem:v0+s26+$0x240 ss:$0x1] =	vst.idx.msk $0xffff, v5;
	v5 =	vld [tilespmem:s27+$0x230]  }
0x72: {  	[tilespmem:v0+s26+$0x230 ss:$0x1] =	vst.idx.msk $0xffff, v4;
	v4 =	vld [tilespmem:s27+$0x240]  }
0x73: {  	[tilespmem:v0+s26+$0x270 ss:$0x1] =	vst.idx.msk $0xffff, v3;
	v3 =	vld [tilespmem:s27+$0x250]  }
0x74: {  	[tilespmem:v0+s26+$0x260 ss:$0x1] =	vst.idx.msk $0xffff, v2;
	v2 =	vld [tilespmem:s27+$0x260]  }
0x75: {  	s29 =	sadd.s32 $0x800, s27;
	s28 =	simm.s32 $0x200;
	[tilespmem:v0+s26+$0x250 ss:$0x1] =	vst.idx.msk $0xffff, v1;
	v1 =	vld [tilespmem:s27+$0xFFFFFC00];
	s27 =	smov.u32 s22  }
.LBB1_5:
0x76: {  	v6 =	vld [tilespmem:s29+$0x270];
	s28 =	sadd.s32 $0x200, s28;
	[tilespmem:v0+s26+$0x330 ss:$0x1] =	vst.idx.msk $0xffff, v5;
	s25 =	sadd.s32 $0x400, s25  }
0x77: {  	v5 =	vld [tilespmem:s29+$0xFFFFFC10];
	s30 =	sand.u32 $0x800, s25;
	p2 =	slt.u32 s28, $0x600;
	[tilespmem:v0+s26+$0x340 ss:$0x1] =	vst.idx.msk $0xffff, v4  }
0x78: {  	s31 =	sand.u32 $0x400, s25;
	s30 =	sadd.s32 s30, s18;
	v4 =	vld [tilespmem:s29+$0xFFFFFC20];
	[tilespmem:v0+s26+$0x350 ss:$0x1] =	vst.idx.msk $0xffff, v3  }
0x79: {  	s27 =	sadd.s32 $0x400, s27;
	s30 =	sadd.s32 s31, s30;
	v3 =	vld [tilespmem:s29+$0xFFFFFC30];
	[tilespmem:v0+s26+$0x360 ss:$0x1] =	vst.idx.msk $0xffff, v2  }
0x7a: {  	s26 =	sadd.s32 s21, s30;
	v2 =	vld [tilespmem:s29+$0xFFFFFC40];
	[tilespmem:s27+$0x0] =	vst v1  }
0x7b: {  	v1 =	vld [tilespmem:s29+$0xFFFFFC50];
	[tilespmem:v0+s26+$0x370 ss:$0x1] =	vst.idx.msk $0xffff, v6  }
0x7c: {  	[tilespmem:v0+s26+$0x10 ss:$0x1] =	vst.idx.msk $0xffff, v5;
	v5 =	vld [tilespmem:s29+$0xFFFFFC60]  }
0x7d: {  	[tilespmem:v0+s26+$0x20 ss:$0x1] =	vst.idx.msk $0xffff, v4;
	v4 =	vld [tilespmem:s29+$0xFFFFFC70]  }
0x7e: {  	[tilespmem:v0+s26+$0x30 ss:$0x1] =	vst.idx.msk $0xffff, v3;
	v3 =	vld [tilespmem:s29+$0xFFFFFE00]  }
0x7f: {  	[tilespmem:v0+s26+$0x40 ss:$0x1] =	vst.idx.msk $0xffff, v2;
	v2 =	vld [tilespmem:s29+$0xFFFFFE10]  }
0x80: {  	[tilespmem:v0+s26+$0x50 ss:$0x1] =	vst.idx.msk $0xffff, v1;
	v1 =	vld [tilespmem:s29+$0xFFFFFE20]  }
0x81: {  	[tilespmem:v0+s26+$0x60 ss:$0x1] =	vst.idx.msk $0xffff, v5;
	v5 =	vld [tilespmem:s29+$0xFFFFFE30]  }
0x82: {  	[tilespmem:v0+s26+$0x70 ss:$0x1] =	vst.idx.msk $0xffff, v4;
	v4 =	vld [tilespmem:s29+$0xFFFFFE40]  }
0x83: {  	[tilespmem:v0+s26+$0x100 ss:$0x1] =	vst.idx.msk $0xffff, v3;
	v3 =	vld [tilespmem:s29+$0xFFFFFE50]  }
0x84: {  	[tilespmem:v0+s26+$0x110 ss:$0x1] =	vst.idx.msk $0xffff, v2;
	v2 =	vld [tilespmem:s29+$0xFFFFFE60]  }
0x85: {  	[tilespmem:v0+s26+$0x120 ss:$0x1] =	vst.idx.msk $0xffff, v1;
	v1 =	vld [tilespmem:s29+$0xFFFFFE70]  }
0x86: {  	[tilespmem:v0+s26+$0x130 ss:$0x1] =	vst.idx.msk $0xffff, v5;
	v5 =	vld [tilespmem:s29+$0x0]  }
0x87: {  	[tilespmem:v0+s26+$0x140 ss:$0x1] =	vst.idx.msk $0xffff, v4;
	v4 =	vld [tilespmem:s29+$0x10]  }
0x88: {  	[tilespmem:v0+s26+$0x150 ss:$0x1] =	vst.idx.msk $0xffff, v3;
	v3 =	vld [tilespmem:s29+$0x20]  }
0x89: {  	[tilespmem:v0+s26+$0x160 ss:$0x1] =	vst.idx.msk $0xffff, v2;
	v2 =	vld [tilespmem:s29+$0x30]  }
0x8a: {  	[tilespmem:v0+s26+$0x170 ss:$0x1] =	vst.idx.msk $0xffff, v1;
	v1 =	vld [tilespmem:s29+$0x40]  }
0x8b: {  	[tilespmem:v0+s26+$0x200 ss:$0x1] =	vst.idx.msk $0xffff, v5;
	v5 =	vld [tilespmem:s29+$0x50]  }
0x8c: {  	[tilespmem:v0+s26+$0x210 ss:$0x1] =	vst.idx.msk $0xffff, v4;
	v4 =	vld [tilespmem:s29+$0x60]  }
0x8d: {  	[tilespmem:v0+s26+$0x220 ss:$0x1] =	vst.idx.msk $0xffff, v3;
	v3 =	vld [tilespmem:s29+$0x70]  }
0x8e: {  	[tilespmem:v0+s26+$0x230 ss:$0x1] =	vst.idx.msk $0xffff, v2;
	v2 =	vld [tilespmem:s29+$0x200]  }
0x8f: {  	[tilespmem:v0+s26+$0x240 ss:$0x1] =	vst.idx.msk $0xffff, v1;
	v1 =	vld [tilespmem:s29+$0x210]  }
0x90: {  	[tilespmem:v0+s26+$0x250 ss:$0x1] =	vst.idx.msk $0xffff, v5;
	v6 =	vld [tilespmem:s29+$0x220]  }
.Ltmp3:
0x91: {  	[tilespmem:v0+s26+$0x260 ss:$0x1] =	vst.idx.msk $0xffff, v4;
	v5 =	vld [tilespmem:s29+$0x230];
	(pc) =	sbr.rel @p2 .LBB1_5-.Ltmp3, $4  }
0x92: {  	[tilespmem:v0+s26+$0x270 ss:$0x1] =	vst.idx.msk $0xffff, v3;
	v4 =	vld [tilespmem:s29+$0x240]  }
0x93: {  	[tilespmem:v0+s26+$0x300 ss:$0x1] =	vst.idx.msk $0xffff, v2;
	v3 =	vld [tilespmem:s29+$0x250]  }
0x94: {  	[tilespmem:v0+s26+$0x310 ss:$0x1] =	vst.idx.msk $0xffff, v1;
	v2 =	vld [tilespmem:s29+$0x260]  }
0x95: {  	v1 =	vld [tilespmem:s29+$0xFFFFFC00];
	[tilespmem:v0+s26+$0x320 ss:$0x1] =	vst.idx.msk $0xffff, v6;
	s29 =	sadd.s32 $0x800, s29  }
0x96: {  	_ =	sdelay $0x1  }
0x97: {  	s24 =	sadd.s32 $0x1, s24  }
0x98: {  	p2 =	sne.s32 s24, $0x4  }
.Ltmp4:
0x99: {  	[tilespmem:v0+s26+$0x330 ss:$0x1] =	vst.idx.msk $0xffff, v5;
	(pc) =	sbr.rel @p2 .LBB1_4-.Ltmp4, $4  }
0x9a: {  	[tilespmem:v0+s26+$0x340 ss:$0x1] =	vst.idx.msk $0xffff, v4  }
0x9b: {  	[tilespmem:v0+s26+$0x350 ss:$0x1] =	vst.idx.msk $0xffff, v3  }
0x9c: {  	s25 =	sadd.s32 $0x400, s27;
	[tilespmem:v0+s26+$0x360 ss:$0x1] =	vst.idx.msk $0xffff, v2  }
0x9d: {  	s22 =	sadd.s32 $0x1000, s22;
	s23 =	sadd.s32 $0x80, s23;
	[tilespmem:s25+$0x0] =	vst v1  }
.Ltmp5:
0x9e: {  	(pc) =	sbr.rel @p1 .LBB1_3-.Ltmp5, $2  }
0x9f: {  	_ =	sdelay $0x2  }
0xa0: {  	s22 =	simm.s32 $0x1;
	p2 =	por $0x0, $0x0  }
0xa1: {  	s17 =	sshll.u32 s17, $0x7;
	s19 =	sand.u32 $0x78, s13  }
0xa2: {  	s20 =	sshll.u32 s13, $0x1;
	s16 =	sshll.u32 s16, $0xC;
	s15 =	sshll.u32 s15, $0xB  }
0xa3: {  	s14 =	sshll.u32 s14, $0x12;
	s28 =	sshrl.u32 s13, $0x2;
	s30 =	sand.u32 $0x7, s13  }
0xa4: {  	s17 =	sand.u32 $0x80, s17;
	s20 =	sand.u32 $0x1F00, s20;
	s16 =	sadd.s32 s3, s16  }
.Ltmp6:
0xa5: {  	s17 =	sor.u32 s17, s19;
	s15 =	sadd.s32 s15, s16;
	(pc) =	sbr.rel .LBB1_9-.Ltmp6, $4  }
0xa6: {  	s29 =	sand.u32 $0x400, s28;
	s17 =	sor.u32 s20, s17;
	s14 =	sadd.s32 s14, s15  }
0xa7: {  	s13 =	sshll.u32 s30, $0x12;
	s31 =	sshrl.u32 s17, $0x3;
	s14 =	sadd.s32 s29, s14  }
0xa8: {  	s13 =	sor.u32 $0x1000, s13;
	s14 =	sadd.s32 s31, s14  }
0xa9: {  	[hbm4b:s14+s13] =	stream.strided.scatter [tilespmem:s18], [sflag:$0x2], $0x4000, s6, s13, $0x38;
	[tilespmem:$0x10000] =	vst v63  }
.LBB1_10:
0xaa: {  	_ =	sfence.sel $0x180000  }
0xab: {  	s2 =	simm.s32 $0x1;
	[bflag:$0x0] =	sbarrier.arrive $0xFFFF  }
0xac: {  	s31 =	simm.s32 $0x2;
	[sflag:s2] =	ssyncpa.u1 $0x1  }
0xad: {  	[sflag:s31] =	ssyncpa.u1 $0x1  }
0xae: {  	p0 =	sne.s32 s1, $0x0;
	_ =	strace $0x90000047  }
0xaf: {  	s0 =	sadd.s32 @!p0 $0x100000, s0;
	[bflag:$0x2] =	sbarrier.arrive $0xFFFF  }
0xb0: {  	[sflag:s0] =	ssyncadd.tile.s32 @!p0 $0x1;
	_ =	shalt  }
.Lfunc_end1:
_tile_overlayer_lowered:
.L_overlay_start_2:
0xb1: {  	(tag) =	ssettag $0x2  }
0xb2: {  	s0 =	rddreg [dreg:$0x0];
	s2 =	stileid.u32  }
0xb3: {  	s1 =	rddreg [dreg:$0x1];
	p0 =	sne.s32 s2, $0x0  }
0xb4: {  	s3 =	rddreg [dreg:$0x2];
	[bflag:$0x3] =	sbarrier.arrive $0xFFFF;
	s2 =	simm.s32 @!p0 $0x1C01  }
0xb5: {  	[timem:s3], [sflag:s2] =	dma.local @!p0 [hbm:s0], s1  }
0xb6: {  	s0 =	simm.s32 @!p0 $0x1  }
0xb7: {  	_ =	swait.ge @!p0 [sflag:s0], s1  }
0xb8: {  	s1 =	ssub.s32 @!p0 $0x0, s1;
	[sflag:s0] =	ssyncset.done @!p0 $0x0  }
0xb9: {  	[sflag:s0] =	ssyncadd.s32 @!p0 s1  }
0xba: {  	[bflag:$0x3] =	sbarrier.arrive $0xFFFF  }
0xbb: {  	_ =	shalt  }

</sc_bundles>
